<compile_context>
chip_gen: v7x
topology: tpu7x:2x2x1
jax: 0.10.2.dev20260603
libtpu: 0.0.44.dev20260713+nightly
codegen_flags: <defaults>
</compile_context>

<pallas_src>
import jax
import jax.numpy as jnp
from jax import lax
from jax.experimental import pallas as pl
from jax.experimental.pallas import tpu as pltpu
from jax.experimental.pallas import tpu_sc as plsc

_LANES = 16
_NCORES = 2


def _sc_scan_kernel(ml_hbm, dur_hbm, s_hbm, e_hbm, dur_v, s_v, e_v, ml_v):
    B, T = dur_hbm.shape
    wid = lax.axis_index("s") * _NCORES + lax.axis_index("c")

    @pl.when(wid < B)
    def _():
        pltpu.sync_copy(dur_hbm.at[wid], dur_v)
        pltpu.sync_copy(ml_hbm, ml_v)
        ml = ml_v[...][0]
        lane = lax.iota(jnp.int32, _LANES)

        def chunk(k, pos):
            base = k * _LANES
            v = dur_v[pl.ds(base, _LANES)]
            inc = plsc.cumsum(v)
            tot = jnp.sum(v)

            def fast(p):
                e = p + inc
                s_v[pl.ds(base, _LANES)] = e - v
                e_v[pl.ds(base, _LANES)] = e
                return p + tot

            def slow(p):
                def step(j, carry):
                    q, sv, ev = carry
                    d = jnp.sum(jnp.where(lane == j, v, 0))
                    fits = (d > 0) & (q + d <= ml)
                    nq = jnp.where(fits, q + d, q)
                    sv = jnp.where(lane == j, q, sv)
                    ev = jnp.where(lane == j, nq, ev)
                    return nq, sv, ev
                z = jnp.zeros((_LANES,), jnp.int32)
                q, sv, ev = lax.fori_loop(0, _LANES, step, (p, z, z))
                s_v[pl.ds(base, _LANES)] = sv
                e_v[pl.ds(base, _LANES)] = ev
                return q

            return lax.cond(pos + tot <= ml, fast, slow, pos)

        lax.fori_loop(0, T // _LANES, chunk, jnp.int32(0))
        pltpu.sync_copy(s_v, s_hbm.at[wid])
        pltpu.sync_copy(e_v, e_hbm.at[wid])


def _expand_kernel(s_ref, e_ref, x_ref, out_ref):
    T = x_ref.shape[2]
    L = out_ref.shape[2]
    s = jnp.transpose(s_ref[0], (1, 0))
    e = jnp.transpose(e_ref[0], (1, 0))
    p = jax.lax.broadcasted_iota(jnp.int32, (T, L), 1)
    r = (p - s).astype(jnp.uint32)
    w = (e - s).astype(jnp.uint32)
    g = (r < w).astype(jnp.bfloat16)
    xb = x_ref[0].astype(jnp.bfloat16)
    out_ref[0] = jax.lax.dot_general(
        xb, g, (((1,), (0,)), ((), ())),
        preferred_element_type=jnp.float32)


def kernel(x, duration, max_len):
    B, C, T = x.shape
    try:
        L = int(max_len)
    except (TypeError, jax.errors.TracerIntegerConversionError):
        L = 2048

    dur_i = duration.astype(jnp.int32)
    ml_arr = jnp.broadcast_to(jnp.asarray(max_len, jnp.int32), (_LANES,))

    sc_scan = pl.kernel(
        _sc_scan_kernel,
        out_type=[jax.ShapeDtypeStruct((B, T), jnp.int32)] * 2,
        mesh=plsc.VectorSubcoreMesh(core_axis_name="c", subcore_axis_name="s"),
        compiler_params=pltpu.CompilerParams(needs_layout_passes=False),
        scratch_types=[
            pltpu.VMEM((T,), jnp.int32),
            pltpu.VMEM((T,), jnp.int32),
            pltpu.VMEM((T,), jnp.int32),
            pltpu.VMEM((_LANES,), jnp.int32),
        ],
    )
    s_bt, e_bt = sc_scan(ml_arr, dur_i)

    out = pl.pallas_call(
        _expand_kernel,
        grid=(B,),
        in_specs=[
            pl.BlockSpec((1, 1, T), lambda b: (b, 0, 0)),
            pl.BlockSpec((1, 1, T), lambda b: (b, 0, 0)),
            pl.BlockSpec((1, C, T), lambda b: (b, 0, 0)),
        ],
        out_specs=pl.BlockSpec((1, C, L), lambda b: (b, 0, 0)),
        out_shape=jax.ShapeDtypeStruct((B, C, L), x.dtype),
    )(s_bt.reshape(B, 1, T), e_bt.reshape(B, 1, T), x)
    return out

# --- scband reference (transcript-rebuilt; emitter-appended) ---
"""Pipeline reference for scband-length-regulator-65034394796077 (READ-ONLY COPY).

The authoritative reference and input builder live on the scoring server;
editing this copy changes nothing except your own understanding.
"""

import jax, jax.numpy as jnp
import numpy as np


def setup_inputs(seed: int = 0) -> dict:
    key = jax.random.key(seed)
    k1, k2 = jax.random.split(key)
    x = jax.random.normal(k1, (16, 512, 512), dtype=jnp.float32)
    duration = jax.random.randint(k2, (16, 512), 0, 8)
    return {"x": x, "duration": duration, "max_len": 2048}


def reference(x, duration, max_len):
    # Faithful translation of LengthRegulator.forward.
    # Original semantics: walk tokens left->right; a token with duration d is
    # placed at [pos, pos+d) only if d > 0 and pos + d <= max_len; otherwise it
    # is SKIPPED and pos does not advance (later, smaller tokens may still fit).
    B, C, T = x.shape

    def scan_fn(pos, d):
        fits = (d > 0) & (pos + d <= max_len)
        new_pos = jnp.where(fits, pos + d, pos)
        placed_d = jnp.where(fits, d, 0)
        return new_pos, placed_d

    def per_batch(dur):
        _, placed = jax.lax.scan(scan_fn, jnp.array(0, dur.dtype), dur)
        return placed

    placed = jax.vmap(per_batch)(duration)            # [B, T] effective durations
    cum = jnp.cumsum(placed, axis=1)                  # [B, T] segment end positions
    pos = jnp.arange(2048)                            # [max_len]
    # token index owning each output position: first t with cum[t] > p
    tok = jax.vmap(lambda c: jnp.searchsorted(c, pos, side='right'))(cum)  # [B, max_len]
    mask = pos[None, :] < cum[:, -1:]                 # positions beyond total stay zero
    tok_c = jnp.minimum(tok, T - 1)
    gathered = jnp.take_along_axis(x, tok_c[:, None, :], axis=2)  # [B, C, max_len]
    out = jnp.where(mask[:, None, :], gathered, jnp.zeros((), x.dtype))
    return out

if __name__ == "__main__":
    import jax
    _d = setup_inputs()
    print(jax.jit(kernel)(*tuple(_d.values())))

</pallas_src>

<mosaic_0001>
#map = affine_map<(d0, d1) -> (0)>
#map1 = affine_map<(d0, d1) -> (0, 0)>
module attributes {stable_mosaic.version = 14 : i64} {
  func.func @_sc_scan_kernel(%arg0: i32, %arg1: i32, %arg2: memref<16xi32, #tpu.memory_space<hbm>>, %arg3: memref<16x512xi32, #tpu.memory_space<hbm>>, %arg4: memref<16x512xi32, #tpu.memory_space<hbm>>, %arg5: memref<16x512xi32, #tpu.memory_space<hbm>>, %arg6: memref<512xi32, #tpu.memory_space<vmem>>, %arg7: memref<512xi32, #tpu.memory_space<vmem>>, %arg8: memref<512xi32, #tpu.memory_space<vmem>>, %arg9: memref<16xi32, #tpu.memory_space<vmem>>) attributes {dimension_semantics = [#tpu.dimension_semantics<core_parallel>, #tpu.dimension_semantics<subcore_parallel>], iteration_bounds = array<i64: 2, 16>, scalar_prefetch = 0 : i64, scratch_operands = 4 : i64, tpu.core_type = #tpu.core_type<sc_vector_subcore>, window_params = [{transform_indices = #map}, {transform_indices = #map1}, {transform_indices = #map1}, {transform_indices = #map1}]} {
    %mul3A = arith.constant 2 : i32
    %mul3A_0 = arith.muli %arg1, %mul3A : i32
    %add3A = arith.addi %mul3A_0, %arg0 : i32
    %lt3A = arith.constant 16 : i32
    %lt3A_1 = arith.cmpi slt, %add3A, %lt3A : i32
    %convert_element_type3A = arith.extui %lt3A_1 : i1 to i32
    %cond3A = arith.constant 0 : i32
    %cond3A_2 = arith.cmpi ne, %convert_element_type3A, %cond3A : i32
    scf.if %cond3A_2 {
      "tpu.region"() ({
        %run_scoped3A = tpu.sem_alloc : memref<!tpu.dma_semaphore, #tpu.memory_space<semaphore_mem>>
        %dma_start3A = arith.constant 0 : i32
        %dma_start3A_10 = tpu.memref_slice %arg3[%add3A, %dma_start3A] : memref<16x512xi32, #tpu.memory_space<hbm>> -> memref<1x512xi32, #tpu.memory_space<hbm>>
        %dma_start3A_11 = tpu.memref_squeeze %dma_start3A_10 : memref<1x512xi32, #tpu.memory_space<hbm>> -> memref<512xi32, #tpu.memory_space<hbm>>
        %dma_start3A_12 = arith.constant 0 : i32
        %dma_start3A_13 = tpu.memref_slice %arg3[%add3A, %dma_start3A_12] : memref<16x512xi32, #tpu.memory_space<hbm>> -> memref<1x512xi32, #tpu.memory_space<hbm>>
        %dma_start3A_14 = tpu.memref_squeeze %dma_start3A_13 : memref<1x512xi32, #tpu.memory_space<hbm>> -> memref<512xi32, #tpu.memory_space<hbm>>
        tpu.enqueue_dma source(%dma_start3A_14 : memref<512xi32, #tpu.memory_space<hbm>>) target(%arg6 : memref<512xi32, #tpu.memory_space<vmem>>) target_semaphore(%run_scoped3A : memref<!tpu.dma_semaphore, #tpu.memory_space<semaphore_mem>>)
        %dma_wait3A = arith.constant 0 : i32
        %dma_wait3A_15 = tpu.memref_slice %arg3[%add3A, %dma_wait3A] : memref<16x512xi32, #tpu.memory_space<hbm>> -> memref<1x512xi32, #tpu.memory_space<hbm>>
        %dma_wait3A_16 = tpu.memref_squeeze %dma_wait3A_15 : memref<1x512xi32, #tpu.memory_space<hbm>> -> memref<512xi32, #tpu.memory_space<hbm>>
        %dma_wait3A_17 = arith.constant 0 : i32
        %dma_wait3A_18 = tpu.memref_slice %arg3[%add3A, %dma_wait3A_17] : memref<16x512xi32, #tpu.memory_space<hbm>> -> memref<1x512xi32, #tpu.memory_space<hbm>>
        %dma_wait3A_19 = tpu.memref_squeeze %dma_wait3A_18 : memref<1x512xi32, #tpu.memory_space<hbm>> -> memref<512xi32, #tpu.memory_space<hbm>>
        tpu.wait_dma2 semaphore(%run_scoped3A : memref<!tpu.dma_semaphore, #tpu.memory_space<semaphore_mem>>) src(%dma_wait3A_19 : memref<512xi32, #tpu.memory_space<hbm>>) dst(%arg6 : memref<512xi32, #tpu.memory_space<vmem>>)
        tpu.yield
      }) : () -> ()
      "tpu.region"() ({
        %run_scoped3A = tpu.sem_alloc : memref<!tpu.dma_semaphore, #tpu.memory_space<semaphore_mem>>
        tpu.enqueue_dma source(%arg2 : memref<16xi32, #tpu.memory_space<hbm>>) target(%arg9 : memref<16xi32, #tpu.memory_space<vmem>>) target_semaphore(%run_scoped3A : memref<!tpu.dma_semaphore, #tpu.memory_space<semaphore_mem>>)
        tpu.wait_dma2 semaphore(%run_scoped3A : memref<!tpu.dma_semaphore, #tpu.memory_space<semaphore_mem>>) src(%arg2 : memref<16xi32, #tpu.memory_space<hbm>>) dst(%arg9 : memref<16xi32, #tpu.memory_space<vmem>>)
        tpu.yield
      }) : () -> ()
      %get3A = arith.constant 0 : index
      %get3A_3 = tpu.vector_load %arg9[%get3A] {strides = array<i32>} : memref<16xi32, #tpu.memory_space<vmem>>, vector<16xi32>,
      %slice3A = vector.extract_strided_slice %get3A_3 {offsets = [0], sizes = [1], strides = [1]} : vector<16xi32> to vector<1xi32>
      %squeeze3A = vector.extract %slice3A[0] : i32 from vector<1xi32>
      %iota3A = tpu.iota {dimensions = array<i32: 0>} : vector<16xi32>
      %scan3A = arith.constant 0 : i32
      %scan3A_4 = arith.constant 0 : i32
      %scan3A_5 = arith.constant 32 : i32
      %scan3A_6 = arith.addi %scan3A_4, %scan3A_5 : i32
      %scan3A_7 = arith.constant 1 : i32
      %scan3A_8 = scf.for %scan3A_10 = %scan3A_4 to %scan3A_6 step %scan3A_7 iter_args(%scan3A_11 = %scan3A) -> (i32)  : i32 {
        %mul3A_12 = arith.constant 16 : i32
        %mul3A_13 = arith.muli %scan3A_10, %mul3A_12 : i32
        %get3A_14 = arith.index_cast %mul3A_13 : i32 to index
        %get3A_15 = tpu.vector_load %arg6[%get3A_14] {strides = array<i32>} : memref<512xi32, #tpu.memory_space<vmem>>, vector<16xi32>,
        %broadcast_in_dim3A = arith.constant true
        %broadcast_in_dim3A_16 = vector.broadcast %broadcast_in_dim3A : i1 to vector<16xi1>
        %masked_cumsum3A = tpu.scan <sum>, %get3A_15 masked %broadcast_in_dim3A_16 : vector<16xi32>, vector<16xi1> -> vector<16xi32>
        %reduce_sum3A = arith.constant true
        %reduce_sum3A_17 = vector.broadcast %reduce_sum3A : i1 to vector<16xi1>
        %reduce_sum3A_18 = tpu.scan <sum>, %get3A_15 masked %reduce_sum3A_17 : vector<16xi32>, vector<16xi1> -> vector<16xi32>
        %reduce_sum3A_19 = vector.extract %reduce_sum3A_18[15] : i32 from vector<16xi32>
        %add3A_20 = arith.addi %scan3A_11, %reduce_sum3A_19 : i32
        %le3A = arith.cmpi sle, %add3A_20, %squeeze3A : i32
        %convert_element_type3A_21 = arith.extui %le3A : i1 to i32
        %cond3A_22 = arith.constant 0 : i32
        %cond3A_23 = arith.cmpi ne, %convert_element_type3A_21, %cond3A_22 : i32
        %cond3A_24 = scf.if %cond3A_23 -> (i32) {
          %add3A_25 = vector.broadcast %scan3A_11 : i32 to vector<16xi32>
          %add3A_26 = arith.addi %add3A_25, %masked_cumsum3A : vector<16xi32>
          %sub3A = arith.subi %add3A_26, %get3A_15 : vector<16xi32>
          %swap3A = arith.index_cast %mul3A_13 : i32 to index
          %swap3A_27 = tpu.vector_load %arg7[%swap3A] {strides = array<i32>} : memref<512xi32, #tpu.memory_space<vmem>>, vector<16xi32>,
          tpu.vector_store %arg7[%swap3A], %sub3A {strides = array<i32>} : memref<512xi32, #tpu.memory_space<vmem>>, vector<16xi32>,
          %swap3A_28 = arith.index_cast %mul3A_13 : i32 to index
          %swap3A_29 = tpu.vector_load %arg8[%swap3A_28] {strides = array<i32>} : memref<512xi32, #tpu.memory_space<vmem>>, vector<16xi32>,
          tpu.vector_store %arg8[%swap3A_28], %add3A_26 {strides = array<i32>} : memref<512xi32, #tpu.memory_space<vmem>>, vector<16xi32>,
          %add3A_30 = arith.addi %scan3A_11, %reduce_sum3A_19 : i32
          scf.yield %add3A_30 : i32
        } else {
          %broadcast_in_dim3A_25 = arith.constant 0 : i32
          %broadcast_in_dim3A_26 = vector.broadcast %broadcast_in_dim3A_25 : i32 to vector<16xi32>
          %scan3A_27 = arith.constant 0 : i32
          %scan3A_28 = arith.constant 16 : i32
          %scan3A_29 = arith.addi %scan3A_27, %scan3A_28 : i32
          %scan3A_30 = arith.constant 1 : i32
          %scan3A_31:3 = scf.for %scan3A_36 = %scan3A_27 to %scan3A_29 step %scan3A_30 iter_args(%scan3A_37 = %scan3A_11, %scan3A_38 = %broadcast_in_dim3A_26, %scan3A_39 = %broadcast_in_dim3A_26) -> (i32, vector<16xi32>, vector<16xi32>)  : i32 {
            %eq3A = vector.broadcast %scan3A_36 : i32 to vector<16xi32>
            %eq3A_40 = arith.cmpi eq, %iota3A, %eq3A : vector<16xi32>
            %jit3A = arith.constant 0 : i32
            %broadcast_in_dim3A_41 = vector.broadcast %jit3A : i32 to vector<16xi32>
            %select_n3A = arith.select %eq3A_40, %get3A_15, %broadcast_in_dim3A_41 : vector<16xi1>, vector<16xi32>
            %reduce_sum3A_42 = arith.constant true
            %reduce_sum3A_43 = vector.broadcast %reduce_sum3A_42 : i1 to vector<16xi1>
            %reduce_sum3A_44 = tpu.scan <sum>, %select_n3A masked %reduce_sum3A_43 : vector<16xi32>, vector<16xi1> -> vector<16xi32>
            %reduce_sum3A_45 = vector.extract %reduce_sum3A_44[15] : i32 from vector<16xi32>
            %gt3A = arith.constant 0 : i32
            %gt3A_46 = arith.cmpi sgt, %reduce_sum3A_45, %gt3A : i32
            %add3A_47 = arith.addi %scan3A_37, %reduce_sum3A_45 : i32
            %le3A_48 = arith.cmpi sle, %add3A_47, %squeeze3A : i32
            %and3A = arith.andi %gt3A_46, %le3A_48 : i1
            %add3A_49 = arith.addi %scan3A_37, %reduce_sum3A_45 : i32
            %select_n3A_50 = arith.select %and3A, %add3A_49, %scan3A_37 : i32
            %eq3A_51 = vector.broadcast %scan3A_36 : i32 to vector<16xi32>
            %eq3A_52 = arith.cmpi eq, %iota3A, %eq3A_51 : vector<16xi32>
            %broadcast_in_dim3A_53 = vector.broadcast %scan3A_37 : i32 to vector<16xi32>
            %select_n3A_54 = arith.select %eq3A_52, %broadcast_in_dim3A_53, %scan3A_38 : vector<16xi1>, vector<16xi32>
            %eq3A_55 = vector.broadcast %scan3A_36 : i32 to vector<16xi32>
            %eq3A_56 = arith.cmpi eq, %iota3A, %eq3A_55 : vector<16xi32>
            %broadcast_in_dim3A_57 = vector.broadcast %select_n3A_50 : i32 to vector<16xi32>
            %select_n3A_58 = arith.select %eq3A_56, %broadcast_in_dim3A_57, %scan3A_39 : vector<16xi1>, vector<16xi32>
            scf.yield %select_n3A_50, %select_n3A_54, %select_n3A_58 : i32, vector<16xi32>, vector<16xi32>
          }
          %scan3A_32 = arith.constant 16 : i32
          %swap3A = arith.index_cast %mul3A_13 : i32 to index
          %swap3A_33 = tpu.vector_load %arg7[%swap3A] {strides = array<i32>} : memref<512xi32, #tpu.memory_space<vmem>>, vector<16xi32>,
          tpu.vector_store %arg7[%swap3A], %scan3A_31#1 {strides = array<i32>} : memref<512xi32, #tpu.memory_space<vmem>>, vector<16xi32>,
          %swap3A_34 = arith.index_cast %mul3A_13 : i32 to index
          %swap3A_35 = tpu.vector_load %arg8[%swap3A_34] {strides = array<i32>} : memref<512xi32, #tpu.memory_space<vmem>>, vector<16xi32>,
          tpu.vector_store %arg8[%swap3A_34], %scan3A_31#2 {strides = array<i32>} : memref<512xi32, #tpu.memory_space<vmem>>, vector<16xi32>,
          scf.yield %scan3A_31#0 : i32
        }
        scf.yield %cond3A_24 : i32
      }
      %scan3A_9 = arith.constant 32 : i32
      "tpu.region"() ({
        %run_scoped3A = tpu.sem_alloc : memref<!tpu.dma_semaphore, #tpu.memory_space<semaphore_mem>>
        %dma_start3A = arith.constant 0 : i32
        %dma_start3A_10 = tpu.memref_slice %arg4[%add3A, %dma_start3A] : memref<16x512xi32, #tpu.memory_space<hbm>> -> memref<1x512xi32, #tpu.memory_space<hbm>>
        %dma_start3A_11 = tpu.memref_squeeze %dma_start3A_10 : memref<1x512xi32, #tpu.memory_space<hbm>> -> memref<512xi32, #tpu.memory_space<hbm>>
        %dma_start3A_12 = arith.constant 0 : i32
        %dma_start3A_13 = tpu.memref_slice %arg4[%add3A, %dma_start3A_12] : memref<16x512xi32, #tpu.memory_space<hbm>> -> memref<1x512xi32, #tpu.memory_space<hbm>>
        %dma_start3A_14 = tpu.memref_squeeze %dma_start3A_13 : memref<1x512xi32, #tpu.memory_space<hbm>> -> memref<512xi32, #tpu.memory_space<hbm>>
        tpu.enqueue_dma source(%arg7 : memref<512xi32, #tpu.memory_space<vmem>>) target(%dma_start3A_14 : memref<512xi32, #tpu.memory_space<hbm>>) target_semaphore(%run_scoped3A : memref<!tpu.dma_semaphore, #tpu.memory_space<semaphore_mem>>)
        %dma_wait3A = arith.constant 0 : i32
        %dma_wait3A_15 = tpu.memref_slice %arg4[%add3A, %dma_wait3A] : memref<16x512xi32, #tpu.memory_space<hbm>> -> memref<1x512xi32, #tpu.memory_space<hbm>>
        %dma_wait3A_16 = tpu.memref_squeeze %dma_wait3A_15 : memref<1x512xi32, #tpu.memory_space<hbm>> -> memref<512xi32, #tpu.memory_space<hbm>>
        %dma_wait3A_17 = arith.constant 0 : i32
        %dma_wait3A_18 = tpu.memref_slice %arg4[%add3A, %dma_wait3A_17] : memref<16x512xi32, #tpu.memory_space<hbm>> -> memref<1x512xi32, #tpu.memory_space<hbm>>
        %dma_wait3A_19 = tpu.memref_squeeze %dma_wait3A_18 : memref<1x512xi32, #tpu.memory_space<hbm>> -> memref<512xi32, #tpu.memory_space<hbm>>
        tpu.wait_dma2 semaphore(%run_scoped3A : memref<!tpu.dma_semaphore, #tpu.memory_space<semaphore_mem>>) src(%arg7 : memref<512xi32, #tpu.memory_space<vmem>>) dst(%dma_wait3A_19 : memref<512xi32, #tpu.memory_space<hbm>>)
        tpu.yield
      }) : () -> ()
      "tpu.region"() ({
        %run_scoped3A = tpu.sem_alloc : memref<!tpu.dma_semaphore, #tpu.memory_space<semaphore_mem>>
        %dma_start3A = arith.constant 0 : i32
        %dma_start3A_10 = tpu.memref_slice %arg5[%add3A, %dma_start3A] : memref<16x512xi32, #tpu.memory_space<hbm>> -> memref<1x512xi32, #tpu.memory_space<hbm>>
        %dma_start3A_11 = tpu.memref_squeeze %dma_start3A_10 : memref<1x512xi32, #tpu.memory_space<hbm>> -> memref<512xi32, #tpu.memory_space<hbm>>
        %dma_start3A_12 = arith.constant 0 : i32
        %dma_start3A_13 = tpu.memref_slice %arg5[%add3A, %dma_start3A_12] : memref<16x512xi32, #tpu.memory_space<hbm>> -> memref<1x512xi32, #tpu.memory_space<hbm>>
        %dma_start3A_14 = tpu.memref_squeeze %dma_start3A_13 : memref<1x512xi32, #tpu.memory_space<hbm>> -> memref<512xi32, #tpu.memory_space<hbm>>
        tpu.enqueue_dma source(%arg8 : memref<512xi32, #tpu.memory_space<vmem>>) target(%dma_start3A_14 : memref<512xi32, #tpu.memory_space<hbm>>) target_semaphore(%run_scoped3A : memref<!tpu.dma_semaphore, #tpu.memory_space<semaphore_mem>>)
        %dma_wait3A = arith.constant 0 : i32
        %dma_wait3A_15 = tpu.memref_slice %arg5[%add3A, %dma_wait3A] : memref<16x512xi32, #tpu.memory_space<hbm>> -> memref<1x512xi32, #tpu.memory_space<hbm>>
        %dma_wait3A_16 = tpu.memref_squeeze %dma_wait3A_15 : memref<1x512xi32, #tpu.memory_space<hbm>> -> memref<512xi32, #tpu.memory_space<hbm>>
        %dma_wait3A_17 = arith.constant 0 : i32
        %dma_wait3A_18 = tpu.memref_slice %arg5[%add3A, %dma_wait3A_17] : memref<16x512xi32, #tpu.memory_space<hbm>> -> memref<1x512xi32, #tpu.memory_space<hbm>>
        %dma_wait3A_19 = tpu.memref_squeeze %dma_wait3A_18 : memref<1x512xi32, #tpu.memory_space<hbm>> -> memref<512xi32, #tpu.memory_space<hbm>>
        tpu.wait_dma2 semaphore(%run_scoped3A : memref<!tpu.dma_semaphore, #tpu.memory_space<semaphore_mem>>) src(%arg8 : memref<512xi32, #tpu.memory_space<vmem>>) dst(%dma_wait3A_19 : memref<512xi32, #tpu.memory_space<hbm>>)
        tpu.yield
      }) : () -> ()
    } else {
    }
    return
  }
}

module attributes {stable_mosaic.version = 14 : i64} {
  func.func @_expand_kernel(%arg0: i32, %arg1: memref<1x1x512xi32, #tpu.memory_space<vmem>>, %arg2: memref<1x1x512xi32, #tpu.memory_space<vmem>>, %arg3: memref<1x512x512xf32, #tpu.memory_space<vmem>>, %arg4: memref<1x512x2048xf32, #tpu.memory_space<vmem>>) attributes {dimension_semantics = [#tpu.dimension_semantics<arbitrary>], iteration_bounds = array<i64: 16>, scalar_prefetch = 0 : i64, scratch_operands = 0 : i64, tpu.core_type = #tpu.core_type<tc>, window_params = [{transform_indices = @transform_0, window_bounds = array<i64: 1, 1, 512>}, {transform_indices = @transform_1, window_bounds = array<i64: 1, 1, 512>}, {transform_indices = @transform_2, window_bounds = array<i64: 1, 512, 512>}, {transform_indices = @transform_3, window_bounds = array<i64: 1, 512, 2048>}]} {
    %get3A = arith.constant 0 : index
    %get3A_0 = arith.constant 0 : index
    %get3A_1 = arith.constant 0 : index
    %get3A_2 = vector.load %arg1[%get3A, %get3A_0, %get3A_1] : memref<1x1x512xi32, #tpu.memory_space<vmem>>, vector<1x1x512xi32>
    %get3A_3 = vector.shape_cast %get3A_2 : vector<1x1x512xi32> to vector<1x512xi32>
    %transpose3A = tpu.transpose %get3A_3, [1, 0] : vector<1x512xi32> -> vector<512x1xi32>
    %get3A_4 = arith.constant 0 : index
    %get3A_5 = arith.constant 0 : index
    %get3A_6 = arith.constant 0 : index
    %get3A_7 = vector.load %arg2[%get3A_4, %get3A_5, %get3A_6] : memref<1x1x512xi32, #tpu.memory_space<vmem>>, vector<1x1x512xi32>
    %get3A_8 = vector.shape_cast %get3A_7 : vector<1x1x512xi32> to vector<1x512xi32>
    %transpose3A_9 = tpu.transpose %get3A_8, [1, 0] : vector<1x512xi32> -> vector<512x1xi32>
    %iota3A = tpu.iota {dimensions = array<i32: 1>} : vector<512x2048xi32>
    %sub3A = vector.broadcast %transpose3A : vector<512x1xi32> to vector<512x2048xi32>
    %sub3A_10 = arith.subi %iota3A, %sub3A : vector<512x2048xi32>
    %sub3A_11 = arith.subi %transpose3A_9, %transpose3A : vector<512x1xi32>
    %lt3A = vector.broadcast %sub3A_11 : vector<512x1xi32> to vector<512x2048xi32>
    %lt3A_12 = arith.cmpi ult, %sub3A_10, %lt3A : vector<512x2048xi32>
    %convert_element_type3A = arith.extui %lt3A_12 : vector<512x2048xi1> to vector<512x2048xi32>
    %convert_element_type3A_13 = arith.sitofp %convert_element_type3A : vector<512x2048xi32> to vector<512x2048xf32>
    %convert_element_type3A_14 = arith.truncf %convert_element_type3A_13 : vector<512x2048xf32> to vector<512x2048xbf16>
    %get3A_15 = arith.constant 0 : index
    %get3A_16 = arith.constant 0 : index
    %get3A_17 = arith.constant 0 : index
    %get3A_18 = vector.load %arg3[%get3A_15, %get3A_16, %get3A_17] : memref<1x512x512xf32, #tpu.memory_space<vmem>>, vector<1x512x512xf32>
    %get3A_19 = vector.shape_cast %get3A_18 : vector<1x512x512xf32> to vector<512x512xf32>
    %convert_element_type3A_20 = arith.truncf %get3A_19 : vector<512x512xf32> to vector<512x512xbf16>
    %dot_general3A = arith.constant dense<0.000000e+00> : vector<512x2048xf32>
    %dot_general3A_21 = tpu.matmul %convert_element_type3A_20, %convert_element_type3A_14, %dot_general3A {dimension_numbers = #tpu.dot_dimension_numbers<[1], [0], [0], [1], [0, 0, 1, 1], [], []>, transpose_lhs_hint = false} : vector<512x512xbf16>, vector<512x2048xbf16>, vector<512x2048xf32> -> vector<512x2048xf32>
    %swap3A = arith.constant 0 : index
    %swap3A_22 = arith.constant 0 : index
    %swap3A_23 = arith.constant 0 : index
    %swap3A_24 = vector.load %arg4[%swap3A, %swap3A_22, %swap3A_23] : memref<1x512x2048xf32, #tpu.memory_space<vmem>>, vector<1x512x2048xf32>
    %swap3A_25 = vector.shape_cast %swap3A_24 : vector<1x512x2048xf32> to vector<512x2048xf32>
    %swap3A_26 = vector.shape_cast %dot_general3A_21 : vector<512x2048xf32> to vector<1x512x2048xf32>
    tpu.vector_store %arg4[%swap3A, %swap3A_22, %swap3A_23], %swap3A_26 {strides = array<i32>} : memref<1x512x2048xf32, #tpu.memory_space<vmem>>, vector<1x512x2048xf32>,
    return
  }
  func.func @transform_0(%arg0: i32) -> (i32, i32, i32) {
    %c0_i32 = arith.constant 0 : i32
    %c0_i32_0 = arith.constant 0 : i32
    %c0_i32_1 = arith.constant 0 : i32
    return %arg0, %c0_i32, %c0_i32_0 : i32, i32, i32
  }
  func.func @transform_1(%arg0: i32) -> (i32, i32, i32) {
    %c0_i32 = arith.constant 0 : i32
    %c0_i32_0 = arith.constant 0 : i32
    %c0_i32_1 = arith.constant 0 : i32
    return %arg0, %c0_i32, %c0_i32_0 : i32, i32, i32
  }
  func.func @transform_2(%arg0: i32) -> (i32, i32, i32) {
    %c0_i32 = arith.constant 0 : i32
    %c0_i32_0 = arith.constant 0 : i32
    %c0_i32_1 = arith.constant 0 : i32
    return %arg0, %c0_i32, %c0_i32_0 : i32, i32, i32
  }
  func.func @transform_3(%arg0: i32) -> (i32, i32, i32) {
    %c0_i32 = arith.constant 0 : i32
    %c0_i32_0 = arith.constant 0 : i32
    %c0_i32_1 = arith.constant 0 : i32
    return %arg0, %c0_i32, %c0_i32_0 : i32, i32, i32
  }
}

</mosaic_0001>

<sc_bundles>
// kernel: kernel.4.cloned.1.call-start
scs
__scs_entry_jumppad:
0x0: {  	(pc) =	sbr.rel $0x88, $3  }
0x1: {  	(tag) =	ssettag $0x0;
	lr =	simm.s32 $0x1  }
0x2: {  	[smem:$0x3F9E] =	sst lr;
	_ =	strace $0xD0000000  }
0x3: {  	_ = 	snop  }
0x4: {  	_ = 	snop  }
0x5: {  	_ = 	snop  }
0x6: {  	_ = 	snop  }
0x7: {  	_ = 	snop  }
__scs_overlays_trampoline_lowered:
0x8: {  	[smem:$0x3FAD] =	sst s0  }
0x9: {  	[smem:$0x3FAE] =	sst s1  }
0xa: {  	[smem:$0x3FAF] =	sst s2  }
0xb: {  	[smem:$0x3FB0] =	sst s3  }
0xc: {  	[smem:$0x3FB1] =	sst s4  }
0xd: {  	[smem:$0x3FB2] =	sst s5  }
0xe: {  	[smem:$0x3FB3] =	sst s6  }
0xf: {  	[smem:$0x3FB4] =	sst s7  }
0x10: {  	[smem:$0x3FB5] =	sst s8  }
0x11: {  	[smem:$0x3FB6] =	sst s9;
	s0 =	simm.s32 @!p0 $0x0  }
0x12: {  	s1 =	sld [smem:$0x3F9C];
	s0 =	simm.s32 @p0 $0x1  }
0x13: {  	[smem:$0x3FB7] =	sst s0;
	s0 =	simm.s32 @!p1 $0x0  }
0x14: {  	s2 =	sld [smem:$0x3F9B];
	s0 =	simm.s32 @p1 $0x1  }
0x15: {  	[smem:$0x3FB8] =	sst s0;
	s0 =	simm.s32 @!p2 $0x0  }
0x16: {  	s3 =	sld [smem:$0x3FDB];
	s0 =	simm.s32 @p2 $0x1  }
0x17: {  	s4 =	simm.s32 $0x1BF5;
	[smem:$0x3FBA] =	sst s0  }
0x18: {  	s0 =	sld [smem:$0x3F9D];
	_ =	swait.ge [sflag:s4], $0x0  }
0x19: {  	s7 =	sld [smem:$0x3F9E]  }
0x1a: {  	s8 =	sadd.s32 $0xFFFFE003, lr  }
0x1b: {  	s9 =	sadd.s32 $0xFFFFFEF7, lr;
	s5 =	simm.s32 $0xFFFFFFFF;
	p2 =	slt.u32 s8, $0xFFFFF086  }
0x1c: {  	p1 =	slt.u32 s9, $0xF7A;
	s5 =	simm.s32 @!p2 $0x0  }
0x1d: {  	s5 =	simm.s32 @p1 $0x1;
	p0 =	seq.s32 s7, s2  }
0x1e: {  	s7 =	smul.u32 @!p0 $0xF7A, s2;
	p2 =	seq.s32 @!p0 s5, $0x0  }
0x1f: {  	s9 =	smul.u32 $0xF7A, s1;
	s8 =	simm.s32 @!p0 $0x1BF5;
	p2 =	por !p2, p0  }
0x20: {  	[sflag:s8] =	ssyncset.s32 @!p0 $0xFFFFF086;
	s6 =	sadd.s32 @!p0 s3, s7;
	s7 =	simm.s32 @!p0 $0x108  }
0x21: {  	s3 =	sadd.s32 s3, s9;
	s6 =	sadd.s32 @!p0 $0x88, s6;
	s7 =	simm.s32 @p2 $0x1082  }
0x22: {  	[simem:s7], [sflag:s8] =	dma.local @!p0 [hbm:s6], $0xF7A  }
0x23: {  	s9 =	sor.u32 $0xD0000000, s2;
	s6 =	simm.s32 $0x108;
	_ =	swait.ge @!p0 [sflag:s8], $0x0  }
0x24: {  	s3 =	sadd.s32 $0x88, s3;
	s6 =	simm.s32 @!p1 $0x1082;
	[sflag:s4] =	ssyncset.s32 $0xFFFFF086  }
0x25: {  	[simem:s6], [sflag:s4] =	dma.local [hbm:s3], $0xF7A  }
0x26: {  	[smem:$0x3F9E] =	sst s1;
	(tag) =	ssettag s2;
	_ =	strace s9  }
0x27: {  	s1 =	sld [smem:$0x3FAE]  }
0x28: {  	s2 =	sld [smem:$0x3FAF]  }
0x29: {  	s4 =	sld [smem:$0x3FB1]  }
0x2a: {  	p0 =	seq.s32 s5, $0x0;
	s5 =	sld [smem:$0x3FB2]  }
0x2b: {  	s6 =	sld [smem:$0x3FB3]  }
0x2c: {  	s7 =	sld [smem:$0x3FB4]  }
0x2d: {  	s3 =	simm.s32 $0x108;
	s8 =	sld [smem:$0x3FB5]  }
0x2e: {  	s3 =	simm.s32 @!p0 $0x1082;
	s9 =	sld [smem:$0x3FB6]  }
0x2f: {  	lr =	sadd.s32 s0, s3;
	s0 =	sld [smem:$0x3FAD]  }
0x30: {  	s3 =	sld [smem:$0x3FB0]  }
0x31: {  	[smem:$0x3FB9] =	sst s10  }
0x32: {  	s10 =	sld [smem:$0x3FB7];
	_ =	sdelay $0x3  }
0x33: {  	p0 =	seq.s32 s10, $0x1;
	s10 =	sld [smem:$0x3FB9];
	_ =	sdelay $0x3  }
0x34: {  	[smem:$0x3FB9] =	sst s10  }
0x35: {  	s10 =	sld [smem:$0x3FB8];
	_ =	sdelay $0x3  }
0x36: {  	p1 =	seq.s32 s10, $0x1;
	s10 =	sld [smem:$0x3FB9];
	_ =	sdelay $0x3  }
0x37: {  	[smem:$0x3FB9] =	sst s10  }
0x38: {  	s10 =	sld [smem:$0x3FBA]  }
0x39: {  	_ = 	snop;
	(pc) =	sbr.ind lr, $3  }
0x3a: {  	_ = 	snop  }
0x3b: {  	_ = 	snop  }
0x3c: {  	p2 =	seq.s32 s10, $0x1;
	s10 =	sld [smem:$0x3FB9]  }
0x3d: {  	_ =	shalt  }
0x3e: {  	_ =	shalt  }
0x3f: {  	_ =	shalt  }
0x40: {  	_ =	shalt  }
0x41: {  	_ =	shalt  }
0x42: {  	_ =	shalt  }
0x43: {  	_ =	shalt  }
0x44: {  	_ =	shalt  }
0x45: {  	_ =	shalt  }
0x46: {  	_ =	shalt  }
0x47: {  	_ =	shalt  }
0x48: {  	_ =	shalt  }
0x49: {  	_ =	shalt  }
0x4a: {  	_ =	shalt  }
0x4b: {  	_ =	shalt  }
0x4c: {  	_ =	shalt  }
0x4d: {  	_ =	shalt  }
0x4e: {  	_ =	shalt  }
0x4f: {  	_ =	shalt  }
0x50: {  	_ =	shalt  }
0x51: {  	_ =	shalt  }
0x52: {  	_ =	shalt  }
0x53: {  	_ =	shalt  }
0x54: {  	_ =	shalt  }
0x55: {  	_ =	shalt  }
0x56: {  	_ =	shalt  }
0x57: {  	_ =	shalt  }
0x58: {  	_ =	shalt  }
0x59: {  	_ =	shalt  }
0x5a: {  	_ =	shalt  }
0x5b: {  	_ =	shalt  }
0x5c: {  	_ =	shalt  }
0x5d: {  	_ =	shalt  }
0x5e: {  	_ =	shalt  }
0x5f: {  	_ =	shalt  }
0x60: {  	_ =	shalt  }
0x61: {  	_ =	shalt  }
0x62: {  	_ =	shalt  }
0x63: {  	_ =	shalt  }
0x64: {  	_ =	shalt  }
0x65: {  	_ =	shalt  }
0x66: {  	_ =	shalt  }
0x67: {  	_ =	shalt  }
0x68: {  	_ =	shalt  }
0x69: {  	_ =	shalt  }
0x6a: {  	_ =	shalt  }
0x6b: {  	_ =	shalt  }
0x6c: {  	_ =	shalt  }
0x6d: {  	_ =	shalt  }
0x6e: {  	_ =	shalt  }
0x6f: {  	_ =	shalt  }
0x70: {  	_ =	shalt  }
0x71: {  	_ =	shalt  }
0x72: {  	_ =	shalt  }
0x73: {  	_ =	shalt  }
0x74: {  	_ =	shalt  }
0x75: {  	_ =	shalt  }
0x76: {  	_ =	shalt  }
0x77: {  	_ =	shalt  }
0x78: {  	_ =	shalt  }
0x79: {  	_ =	shalt  }
0x7a: {  	_ =	shalt  }
0x7b: {  	_ =	shalt  }
0x7c: {  	_ =	shalt  }
0x7d: {  	_ =	shalt  }
0x7e: {  	_ =	shalt  }
0x7f: {  	_ =	shalt  }
0x80: {  	_ =	shalt  }
0x81: {  	_ =	shalt  }
0x82: {  	_ =	shalt  }
0x83: {  	_ =	shalt  }
0x84: {  	_ =	shalt  }
0x85: {  	_ =	shalt  }
0x86: {  	_ =	shalt  }
0x87: {  	_ =	shalt  }
.Lfunc_end0:
.L_simem_size_0:
called_computation_lowered:
.L_overlay_start_0:
0x88: {  	s2 =	sld [smem:$0x3FD9]  }
0x89: {  	s3 =	sld [smem:$0x3FFE];
	_ =	sdelay $0x1  }
0x8a: {  	s1 =	srdreg.scid  }
0x8b: {  	s0 =	sand.u32 $0x1, s1  }
0x8c: {  	s17 =	sshll.u32 s0, $0xA;
	s2 =	sadd.s32 s3, s2  }
0x8d: {  	s2 =	sadd.s32 s2, s17  }
0x8e: {  	[smem:$0x3FC5] =	sst s2  }
0x8f: {  	_ = 	snop  }
0x90: {  	s2 =	sld [smem:$0x3FC8]  }
0x91: {  	s18 =	sld [smem:$0x3FD0];
	(tm) =	ssettm $0x1  }
0x92: {  	s4 =	sld [smem:$0x3FFB];
	_ =	sdelay $0x3  }
0x93: {  	_ =	strace s4  }
0x94: {  	s4 =	sld [smem:$0x3FFC];
	_ =	sdelay $0x3  }
0x95: {  	_ =	strace s4  }
0x96: {  	s4 =	sld [smem:$0x3FFD];
	_ =	sdelay $0x3  }
0x97: {  	_ =	strace s4  }
0x98: {  	_ =	strace $0x8FFFFFFF  }
0x99: {  	s19 =	sld [smem:$0x3FDB];
	_ =	sdelay $0x1  }
0x9a: {  	s5 =	simm.s32 $_scs_section_size  }
0x9b: {  	s6 =	simm.s32 $_size__tile_overlayer_lowered;
	s7 =	simm.s32 $_tile_overlayer_lowered  }
0x9c: {  	s22 =	simm.s32 $0x1BFF;
	s21 =	sshll.u32 s7, $0x1;
	s4 =	sadd.s32 s5, s19  }
0x9d: {  	s8 =	simm.s32 $0x0;
	s20 =	sshll.u32 s6, $0x1;
	s6 =	sadd.s32 s21, s4  }
0x9e: {  	[timem:s8], [sflag:s22] =	dma.local [hbm:s6], s20  }
0x9f: {  	_ =	swait.ge [sflag:s22], s20  }
0xa0: {  	s5 =	ssub.s32 $0x0, s20;
	[sflag:s22] =	ssyncset.done $0x0  }
0xa1: {  	[sflag:s22] =	ssyncadd.s32 s5;
	_ =	sdelay $0x1  }
0xa2: {  	s23 =	simm.s32 $0x1B8B  }
0xa3: {  	_ =	swait.ge [sflag:s23], $0x1  }
0xa4: {  	[sflag:s23] =	ssyncset.done $0x0  }
0xa5: {  	s25 =	simm.s32 $0x1B8E;
	s24 =	sld [smem:$0x3FFE];
	[sflag:s23] =	ssyncadd.s32 $0xFFFFFFFF  }
0xa6: {  	s26 =	simm.s32 $execute0_lowered;
	[smem:$0x3FD2] =	sst s25  }
0xa7: {  	s6 =	sshll.u32 s26, $0x1;
	_ =	strace $0x80000046;
	[dreg:$0x1] =	wrdreg $0xFFFFFFFF  }
0xa8: {  	s28 =	simm.s32 $_size_execute0_lowered;
	s4 =	sadd.s32 s4, s6;
	[dreg:$0x0] =	wrdreg $0x0  }
0xa9: {  	s6 =	sshll.u32 s28, $0x1;
	[dreg:$0x2] =	wrdreg s4  }
0xaa: {  	[dreg:$0x3] =	wrdreg s6  }
0xab: {  	[dreg:$0x4] =	wrdreg $0xC0  }
0xac: {  	_ =	task [dreg:s8], $0x5FFFF  }
0xad: {  	[dreg:$0x1] =	wrdreg $0xFFFFFFFF  }
0xae: {  	[dreg:$0x0] =	wrdreg $0x60  }
0xaf: {  	[dreg:$0x2] =	wrdreg s24  }
0xb0: {  	[dreg:$0x3] =	wrdreg s2  }
0xb1: {  	[dreg:$0x4] =	wrdreg s18  }
0xb2: {  	[dreg:$0x5] =	wrdreg $0x9  }
0xb3: {  	_ =	task.clear_ibuf [dreg:s8], $0x6FFFF;
	_ =	strace $0x90000046  }
0xb4: {  	s29 =	simm.s32 $0x9;
	_ =	strace $0x80000048  }
0xb5: {  	_ =	swait.ge [sflag:s29], $0x1  }
0xb6: {  	[sflag:s29] =	ssyncadd.s32 $0xFFFFFFFF  }
0xb7: {  	_ =	strace $0x90000048  }
0xb8: {  	_ =	sfence  }
0xb9: {  	s30 =	sld [smem:$0x0];
	_ =	sdelay $0x2  }
0xba: {  	s31 =	sshll.u32 s1, $0xD;
	s1 =	sshrl.u32 s1, $0x2  }
0xbb: {  	s3 =	sand.u32 $0x4000, s31;
	s1 =	sadd.s32 s1, s30  }
0xbc: {  	s0 =	sor.u32 s3, s0;
	s1 =	sshll.u32 s1, $0x11  }
0xbd: {  	s0 =	sor.u32 s1, s0  }
0xbe: {  	s0 =	sadd.s32 $0x8F2B, s0  }
0xbf: {  	[sflag:s0] =	ssyncadd.remote.s32 $0x1  }
0xc0: {  	_ =	sfence.sel $0xFFFF  }
0xc1: {  	[dreg:$0x0] =	wrdreg $0xFFFFFFFF;
	(pc) =	sbr.abs _section_cstart, $3  }
0xc2: {  	[dreg:$0x1] =	wrdreg $0xFFFFFFFF  }
0xc3: {  	_ =	task.clear_ibuf [dreg:s8], $0x2FFFF;
	_ =	strace $0x9FFFFFFF  }
0xc4: {  	(tm) =	ssettm $0x7FFFFFFF  }
0xc5: {  	_ =	shalt  }
tec
execute0_lowered:
.L_overlay_start_1:
0x0: {  	(tag) =	ssettag $0x1  }
0x1: {  	s1 =	stileid.u32  }
0x2: {  	p0 =	sgt.u32 s1, $0x7  }
.Ltmp0:
0x3: {  	s4 =	rddreg [dreg:$0x0];
	(pc) =	sbr.rel @p0 .LBB2_10-.Ltmp0, $4  }
0x4: {  	s6 =	rddreg [dreg:$0x1]  }
0x5: {  	s5 =	rddreg [dreg:$0x2];
	s2 =	simm.s32 $0x0  }
0x6: {  	[smem:$0x7FF] =	sst s2  }
0x7: {  	s0 =	rddreg [dreg:$0x3];
	_ =	strace $0x80000047  }
0x8: {  	s3 =	srdreg.scid  }
0x9: {  	s31 =	sshll.u32 s1, $0x5;
	s8 =	sshll.u32 s1, $0x7;
	s11 =	simm.s32 $0x600  }
0xa: {  	s12 =	simm.s32 $0x200;
	s13 =	simm.s32 $0x0;
	s7 =	sand.u32 $0x1, s3  }
0xb: {  	s3 =	sand.u32 $0x60, s31;
	s8 =	sand.u32 $0x200, s8;
	s9 =	sshll.u32 s7, $0x4  }
.Ltmp1:
0xc: {  	s7 =	ssub.s32 $0x2, s7;
	s9 =	sor.u32 s9, s3;
	(pc) =	sbr.rel .LBB2_2-.Ltmp1, $4  }
0xd: {  	s3 =	sadd.s32 $0xA00, s4;
	s10 =	sshrl.u32 s7, $0x1;
	s8 =	sor.u32 s8, s9  }
0xe: {  	s7 =	ssub.s32 s7, s10;
	s10 =	simm.s32 $0x1;
	s9 =	sadd.s32 s8, s4  }
0xf: {  	s4 =	sadd.s32 s5, s8;
	s6 =	sadd.s32 s6, s8;
	s7 =	smax.u32 s7, $0x1  }
0x10: {  	v0 =	vlaneseq.u32;
	s8 =	simm.s32 $0x80;
	s5 =	sadd.s32 $0xC00, s9;
	s9 =	simm.s32 $0x400  }
.LBB2_9:
0x11: {  	[hbm4b:s4+s8] =	stream.strided.scatter [tilespmem:s12], [sflag:$0x1], $0x200, s9, s8, $0x38;
	[tilespmem:$0x680] =	vst v63  }
0x12: {  	s2 =	sadd.s32 $0x1, s2;
	_ =	swait.ge [sflag:s10], $0x200  }
0x13: {  	p0 =	sne.s32 s2, s7;
	[sflag:s10] =	ssyncset.done $0x0  }
.Ltmp2:
0x14: {  	[sflag:s10] =	ssyncadd.s32 $0xFFFFFE00;
	(pc) =	sbr.rel @!p0 .LBB2_10-.Ltmp2, $4  }
0x15: {  	[hbm4b:s5+s8] =	stream.strided.scatter [tilespmem:s9], [sflag:$0x1], $0x200, s9, s8, $0x38;
	[tilespmem:$0x680] =	vst v63  }
0x16: {  	_ =	swait.ge [sflag:s10], $0x200  }
0x17: {  	[sflag:s10] =	ssyncset.done $0x0  }
0x18: {  	[sflag:s10] =	ssyncadd.s32 $0xFFFFFE00  }
.LBB2_2:
0x19: {  	[tilespmem:s13], [sflag:$0x1] =	stream.strided.gather [hbm4b:s6+s8], $0x200, s9, s8, $0x38;
	[tilespmem:$0x680] =	vst v63  }
0x1a: {  	_ =	swait.ge [sflag:s10], $0x200  }
0x1b: {  	[sflag:s10] =	ssyncset.done $0x0  }
0x1c: {  	[sflag:s10] =	ssyncadd.s32 $0xFFFFFE00  }
0x1d: {  	[tilespmem:s11], [sflag:$0x1] =	stream.linear.gather [hbm4b:s3+s13], $0x80, $0x38;
	[tilespmem:$0x680] =	vst v63  }
0x1e: {  	_ =	swait.ge [sflag:s10], $0x80  }
0x1f: {  	[sflag:s10] =	ssyncset.done $0x0  }
0x20: {  	[sflag:s10] =	ssyncadd.s32 $0xFFFFFF80  }
0x21: {  	v1 =	vld [tilespmem:$0x600];
	_ =	sdelay $0x4  }
0x22: {  	(v2sf) =	vpush v1, $0x0;
	_ =	sdelay $0xa  }
.Ltmp3:
0x23: {  	_ = 	snop;
	(pc) =	sbr.rel .LBB2_3-.Ltmp3, $2  }
0x24: {  	_ =	sdelay $0x2  }
0x25: {  	s16 =	simm.s32 $0x0;
	s15 =	simm.s32 $0x0;
	s14 =	spop (v2sf)  }
.LBB2_4:
0x26: {  	v2 =	vadd.s32 s16, v3  }
0x27: {  	s16 =	smov.u32 s18;
	v1 =	vsub.s32 v2, v1  }
.LBB2_8:
0x28: {  	s15 =	sadd.s32 $0x1, s15  }
0x29: {  	p0 =	sne.s32 s15, $0x20  }
.Ltmp4:
0x2a: {  	_ = 	snop;
	(pc) =	sbr.rel @!p0 .LBB2_9-.Ltmp4, $3  }
0x2b: {  	_ =	sdelay $0x1  }
0x2c: {  	[tilespmem:s17+$0x200] =	vst v1  }
0x2d: {  	[tilespmem:s17+$0x400] =	vst v2  }
.LBB2_3:
0x2e: {  	s17 =	sshll.u32 s15, $0x4  }
0x2f: {  	v1 =	vld [tilespmem:s17+$0x0];
	_ =	sdelay $0x4  }
0x30: {  	(xrf0) =	vadd.scan.msk.s32 $0xffff, v1;
	_ =	sdelay $0x5  }
0x31: {  	v3, _, _ =	vpop (xrf0)  }
0x32: {  	(v2sf) =	vpush v3, $0xF;
	_ =	sdelay $0xe  }
0x33: {  	s18 =	spop (v2sf)  }
0x34: {  	s18 =	sadd.s32 s16, s18  }
0x35: {  	p0 =	sgt.s32 s18, s14  }
.Ltmp5:
0x36: {  	_ = 	snop;
	(pc) =	sbr.rel @!p0 .LBB2_4-.Ltmp5, $2  }
0x37: {  	_ =	sdelay $0x2  }
0x38: {  	v2 =	vimm.s32 $0x0  }
0x39: {  	v3 =	vmov s13  }
0x3a: {  	vm0 =	veq.s32 v3, v0  }
0x3b: {  	v3 =	vnsel vm0, $0x0, v1  }
0x3c: {  	(xrf0) =	vadd.scan.msk.s32 $0xffff, v3;
	_ =	sdelay $0x5  }
0x3d: {  	v3, _, _ =	vpop (xrf0)  }
0x3e: {  	(v2sf) =	vpush v3, $0xF  }
0x3f: {  	s18 =	simm.s32 $0x1  }
0x40: {  	s29 =	simm.s32 $0x2;
	v3 =	vmov s18  }
0x41: {  	v4 =	vmov s29;
	vm1 =	veq.s32 v3, v0  }
0x42: {  	vm2 =	veq.s32 v4, v0;
	v3 =	vnsel vm1, $0x0, v1  }
0x43: {  	s30 =	simm.s32 $0x3;
	(xrf0) =	vadd.scan.msk.s32 $0xffff, v3;
	v3 =	vnsel vm2, $0x0, v1  }
0x44: {  	(xrf0) =	vadd.scan.msk.s32 $0xffff, v3;
	v3 =	vmov s30  }
0x45: {  	vm3 =	veq.s32 v3, v0  }
0x46: {  	v3 =	vnsel vm3, $0x0, v1  }
0x47: {  	(xrf0) =	vadd.scan.msk.s32 $0xffff, v3;
	_ =	sdelay $0x1  }
0x48: {  	v3, _, _ =	vpop (xrf0)  }
0x49: {  	(v2sf) =	vpush v3, $0xF;
	_ =	sdelay $0x1  }
0x4a: {  	v3, _, _ =	vpop (xrf0)  }
0x4b: {  	v5, _, _ =	vpop (xrf0);
	s19 =	spop (v2sf);
	(v2sf) =	vpush v3, $0xF  }
0x4c: {  	(v2sf) =	vpush v5, $0xF;
	_ =	sdelay $0x1  }
0x4d: {  	s31 =	simm.s32 $0x4  }
0x4e: {  	vm0 =	vmmov vm0;
	v4 =	vmov s31  }
0x4f: {  	vm0 =	vmmov vm0;
	vm7 =	veq.s32 v4, v0  }
0x50: {  	vm0 =	vmmov vm0;
	v4 =	vnsel vm7, $0x0, v1;
	vm1 =	vmmov vm1  }
0x51: {  	vm0 =	vmmov vm0;
	vm1 =	vmmov vm1;
	vm2 =	vmmov vm2;
	s18 =	sadd.s32 s16, s19  }
0x52: {  	s20 =	smov.u32 s16;
	vm4 =	vmmov vm0;
	vm1 =	vmmov vm1;
	vm5 =	vmmov vm2;
	(xrf0) =	vadd.scan.msk.s32 $0xffff, v4;
	p0 =	sle.s32 s18, s14  }
0x53: {  	vm2 =	vmmov vm1;
	vm6 =	vmmov vm3;
	vm3 =	vmmov vm5;
	p1 =	sgt.s32 s19, $0x0;
	s20 =	smov.u32 @p0 s18  }
0x54: {  	vm1 =	vmmov vm6;
	v3 =	vsel vm0, s16, v2;
	vm0 =	vmmov vm7;
	s18 =	simm.s32 $0x5;
	s16 =	smov.u32 @p1 s20  }
.LBB2_6:
0x55: {  	v4 =	vmov s18;
	p0 =	sne.s32 s18, $0xF;
	s18 =	sadd.s32 $0x1, s18;
	v3 =	vsel vm2, s16, v3;
	v2 =	vsel vm4, s16, v2  }
.Ltmp6:
0x56: {  	vm4 =	vmmov vm2;
	vm2 =	vmmov vm3;
	vm5 =	veq.s32 v4, v0;
	s19 =	spop (v2sf);
	(pc) =	sbr.rel @p0 .LBB2_6-.Ltmp6, $4  }
0x57: {  	vm3 =	vmmov vm1;
	vm1 =	vmmov vm0;
	v5 =	vnsel vm5, $0x0, v1;
	s20 =	sadd.s32 s16, s19  }
0x58: {  	vm0 =	vmmov vm5;
	p2 =	sgt.s32 s19, $0x0;
	s19 =	smov.u32 s16;
	(xrf0) =	vadd.scan.msk.s32 $0xffff, v5;
	v4, _, _ =	vpop (xrf0);
	p1 =	sle.s32 s20, s14  }
0x59: {  	(v2sf) =	vpush v4, $0xF;
	s19 =	smov.u32 @p1 s20  }
0x5a: {  	s16 =	smov.u32 @p2 s19  }
0x5b: {  	_ =	sdelay $0x2  }
0x5c: {  	v1, _, _ =	vpop (xrf0)  }
0x5d: {  	(v2sf) =	vpush v1, $0xF;
	_ =	sdelay $0x2  }
0x5e: {  	s18 =	spop (v2sf)  }
0x5f: {  	s19 =	sadd.s32 s16, s18  }
0x60: {  	s20 =	smov.u32 s16;
	p0 =	sle.s32 s19, s14  }
0x61: {  	p1 =	sgt.s32 s18, $0x0;
	s20 =	smov.u32 @p0 s19  }
0x62: {  	v2 =	vsel vm4, s16, v2;
	s29 =	spop (v2sf);
	v1 =	vsel vm2, s16, v3;
	s16 =	smov.u32 @p1 s20  }
0x63: {  	s19 =	sadd.s32 s16, s29  }
0x64: {  	s20 =	smov.u32 s16;
	p0 =	sle.s32 s19, s14  }
0x65: {  	vm14 =	vmmov vm2;
	vm3 =	vmmov vm3;
	p1 =	sgt.s32 s29, $0x0;
	s20 =	smov.u32 @p0 s19  }
0x66: {  	v1 =	vsel vm3, s16, v1;
	v2 =	vsel vm14, s16, v2;
	s16 =	smov.u32 @p1 s20;
	s30 =	spop (v2sf)  }
0x67: {  	s19 =	sadd.s32 s16, s30  }
0x68: {  	vm1 =	vmmov vm1;
	s20 =	smov.u32 s16;
	p0 =	sle.s32 s19, s14  }
0x69: {  	vm15 =	vmmov vm3;
	vm1 =	vmmov vm1;
	p1 =	sgt.s32 s30, $0x0;
	s20 =	smov.u32 @p0 s19  }
0x6a: {  	v1 =	vsel vm1, s16, v1;
	v2 =	vsel vm15, s16, v2;
	s16 =	smov.u32 @p1 s20;
	s31 =	spop (v2sf)  }
.Ltmp7:
0x6b: {  	vm0 =	vmmov vm0;
	s19 =	sadd.s32 s16, s31;
	(pc) =	sbr.rel .LBB2_8-.Ltmp7, $4  }
0x6c: {  	vm0 =	vmmov vm0;
	s20 =	smov.u32 s16;
	p0 =	sle.s32 s19, s14  }
0x6d: {  	vm0 =	vmmov vm0;
	vm1 =	vmmov vm1;
	p1 =	sgt.s32 s31, $0x0;
	s20 =	smov.u32 @p0 s19  }
0x6e: {  	v1 =	vsel vm0, s16, v1;
	v2 =	vsel vm1, s16, v2;
	vm0 =	vmmov vm0;
	s16 =	smov.u32 @p1 s20  }
0x6f: {  	v2 =	vsel vm0, s16, v2  }
.LBB2_10:
0x70: {  	_ =	sfence.sel $0x180000  }
0x71: {  	[bflag:$0x0] =	sbarrier.arrive $0xFFFF  }
0x72: {  	p0 =	sne.s32 s1, $0x0;
	_ =	strace $0x90000047  }
0x73: {  	s0 =	sadd.s32 @!p0 $0x100000, s0;
	[bflag:$0x2] =	sbarrier.arrive $0xFFFF  }
0x74: {  	[sflag:s0] =	ssyncadd.tile.s32 @!p0 $0x1;
	_ =	shalt  }
.Lfunc_end2:
_tile_overlayer_lowered:
.L_overlay_start_2:
0x75: {  	(tag) =	ssettag $0x2  }
0x76: {  	s0 =	rddreg [dreg:$0x0];
	s2 =	stileid.u32  }
0x77: {  	s1 =	rddreg [dreg:$0x1];
	p0 =	sne.s32 s2, $0x0  }
0x78: {  	s3 =	rddreg [dreg:$0x2];
	[bflag:$0x3] =	sbarrier.arrive $0xFFFF;
	s2 =	simm.s32 @!p0 $0x1C01  }
0x79: {  	[timem:s3], [sflag:s2] =	dma.local @!p0 [hbm:s0], s1  }
0x7a: {  	s0 =	simm.s32 @!p0 $0x1  }
0x7b: {  	_ =	swait.ge @!p0 [sflag:s0], s1  }
0x7c: {  	s1 =	ssub.s32 @!p0 $0x0, s1;
	[sflag:s0] =	ssyncset.done @!p0 $0x0  }
0x7d: {  	[sflag:s0] =	ssyncadd.s32 @!p0 s1  }
0x7e: {  	[bflag:$0x3] =	sbarrier.arrive $0xFFFF  }
0x7f: {  	_ =	shalt  }

</sc_bundles>
